<compile_context>
chip_gen: v7x
topology: tpu7x:2x2x1
jax: 0.10.2.dev20260603
libtpu: 0.0.44.dev20260713+nightly
codegen_flags: <defaults>
</compile_context>

<pallas_src>
import jax
import jax.numpy as jnp
from jax import lax
from jax.experimental import pallas as pl
from jax.experimental.pallas import tpu as pltpu
from jax.experimental.pallas import tpu_sc as plsc

VOCAB = 1000000
D = 64
BATCH = 4096
HIST = 200
B = BATCH * HIST

NC, NS = 2, 16
NW = NC * NS

PER_W = B // NW
CHUNK = 200
N_CHUNKS = PER_W // CHUNK
NPAIR = N_CHUNKS // 2


def _gather_body(xf_hbm, wide_hbm, out_hbm, idx_v, rows_v, out_v, sem_g, sem_o):
    wid = lax.axis_index("s") * NC + lax.axis_index("c")
    base = wid * PER_W
    pltpu.sync_copy(xf_hbm.at[pl.ds(base, PER_W)], idx_v)

    def gather(c, slot):
        idx_slice = idx_v.at[pl.ds(c * CHUNK, CHUNK)]
        pltpu.async_copy(wide_hbm.at[idx_slice], rows_v.at[slot],
                         sem_g.at[slot])

    def wait_gather(slot):
        pltpu.make_async_copy(wide_hbm.at[idx_v.at[pl.ds(0, CHUNK)]],
                              rows_v.at[slot], sem_g.at[slot]).wait()

    def compact(slot):
        def rbody(r, carry):
            for k in range(4):
                out_v[slot, r, pl.ds(k * 16, 16)] = (
                    rows_v[slot, r, pl.ds(k * 16, 16)])
            return carry

        lax.fori_loop(0, CHUNK, rbody, 0)

    def store(c, slot):
        pltpu.async_copy(out_v.at[slot],
                         out_hbm.at[pl.ds(base + c * CHUNK, CHUNK)],
                         sem_o.at[slot])

    def wait_store(slot):
        pltpu.make_async_copy(out_v.at[slot],
                              out_hbm.at[pl.ds(0, CHUNK)],
                              sem_o.at[slot]).wait()

    gather(0, 0)
    gather(1, 1)

    def body(p, carry):
        c0 = p * 2
        wait_gather(0)

        @pl.when(p > 0)
        def _w0():
            wait_store(0)

        compact(0)
        store(c0, 0)

        @pl.when(p < NPAIR - 1)
        def _f0():
            gather(c0 + 2, 0)

        wait_gather(1)

        @pl.when(p > 0)
        def _w1():
            wait_store(1)

        compact(1)
        store(c0 + 1, 1)

        @pl.when(p < NPAIR - 1)
        def _f1():
            gather(c0 + 3, 1)

        return carry

    lax.fori_loop(0, NPAIR, body, 0)
    wait_store(0)
    wait_store(1)


_PARAMS = pltpu.CompilerParams(use_tc_tiling_on_sc=True,
                               needs_layout_passes=False)


@jax.jit
def _embed(xf, table):
    mesh = plsc.VectorSubcoreMesh(core_axis_name="c", subcore_axis_name="s")
    wide = jnp.pad(table, ((0, 0), (0, D)))
    gather = pl.kernel(
        _gather_body,
        out_type=jax.ShapeDtypeStruct((B, D), jnp.float32),
        mesh=mesh,
        scratch_types=[
            pltpu.VMEM((PER_W,), jnp.int32),
            pltpu.VMEM((2, CHUNK, 2 * D), jnp.float32),
            pltpu.VMEM((2, CHUNK, D), jnp.float32),
            pltpu.SemaphoreType.DMA((2,)),
            pltpu.SemaphoreType.DMA((2,)),
        ],
        compiler_params=_PARAMS,
    )
    return gather(xf, wide)


def kernel(x, table):
    xf = x.reshape(-1).astype(jnp.int32)
    out = _embed(xf, table)
    return out.reshape(BATCH, HIST, D)

# --- scband reference (transcript-rebuilt; emitter-appended) ---
"""Pipeline reference for scband-token-embedding-84636625535505 (READ-ONLY COPY).

The authoritative reference and input builder live on the scoring server;
editing this copy changes nothing except your own understanding.
"""

import jax, jax.numpy as jnp
import numpy as np

VOCAB = 1000000
D_MODEL = 64
BATCH = 4096
HIST = 200

def setup_inputs(seed: int = 0) -> dict:
    key = jax.random.key(seed)
    k_idx, k_tab = jax.random.split(key)
    x = jax.random.randint(k_idx, (BATCH, HIST), 0, VOCAB, dtype=jnp.int64 if jax.config.jax_enable_x64 else jnp.int32)
    table = jax.random.normal(k_tab, (VOCAB, D_MODEL), dtype=jnp.float32) * 0.02
    return {"x": x, "table": table}

def reference(x, table):
    # TokenEmbedding.call: plain embedding lookup (keras layers.Embedding)
    return jnp.take(table, x, axis=0)

if __name__ == "__main__":
    import jax
    _d = setup_inputs()
    print(jax.jit(kernel)(*tuple(_d.values())))

</pallas_src>

<mosaic_0001>
#map = affine_map<(d0, d1) -> (0)>
#map1 = affine_map<(d0, d1) -> (0, 0)>
module attributes {stable_mosaic.version = 14 : i64} {
  func.func @_gather_body(%arg0: i32, %arg1: i32, %arg2: memref<819200xi32, #tpu.memory_space<hbm>>, %arg3: memref<1000000x128xf32, #tpu.memory_space<hbm>>, %arg4: memref<819200x64xf32, #tpu.memory_space<hbm>>, %arg5: memref<25600xi32, #tpu.memory_space<vmem>>, %arg6: memref<2x200x128xf32, #tpu.memory_space<vmem>>, %arg7: memref<2x200x64xf32, #tpu.memory_space<vmem>>, %arg8: memref<2x!tpu.dma_semaphore, #tpu.memory_space<semaphore_mem>>, %arg9: memref<2x!tpu.dma_semaphore, #tpu.memory_space<semaphore_mem>>) attributes {dimension_semantics = [#tpu.dimension_semantics<core_parallel>, #tpu.dimension_semantics<subcore_parallel>], iteration_bounds = array<i64: 2, 16>, scalar_prefetch = 0 : i64, scratch_operands = 5 : i64, tpu.core_type = #tpu.core_type<sc_vector_subcore>, window_params = [{transform_indices = #map}, {transform_indices = #map1}, {transform_indices = #map1}]} {
    %mul3A = arith.constant 2 : i32
    %mul3A_0 = arith.muli %arg1, %mul3A : i32
    %add3A = arith.addi %mul3A_0, %arg0 : i32
    %mul3A_1 = arith.constant 25600 : i32
    %mul3A_2 = arith.muli %add3A, %mul3A_1 : i32
    "tpu.region"() ({
      %run_scoped3A = tpu.sem_alloc : memref<!tpu.dma_semaphore, #tpu.memory_space<semaphore_mem>>
      %dma_start3A_68 = tpu.memref_slice %arg2[%mul3A_2] : memref<819200xi32, #tpu.memory_space<hbm>> -> memref<25600xi32, #tpu.memory_space<hbm>>
      %dma_start3A_69 = tpu.memref_slice %arg2[%mul3A_2] : memref<819200xi32, #tpu.memory_space<hbm>> -> memref<25600xi32, #tpu.memory_space<hbm>>
      tpu.enqueue_dma source(%dma_start3A_69 : memref<25600xi32, #tpu.memory_space<hbm>>) target(%arg5 : memref<25600xi32, #tpu.memory_space<vmem>>) target_semaphore(%run_scoped3A : memref<!tpu.dma_semaphore, #tpu.memory_space<semaphore_mem>>)
      %dma_wait3A_70 = tpu.memref_slice %arg2[%mul3A_2] : memref<819200xi32, #tpu.memory_space<hbm>> -> memref<25600xi32, #tpu.memory_space<hbm>>
      %dma_wait3A_71 = tpu.memref_slice %arg2[%mul3A_2] : memref<819200xi32, #tpu.memory_space<hbm>> -> memref<25600xi32, #tpu.memory_space<hbm>>
      tpu.wait_dma2 semaphore(%run_scoped3A : memref<!tpu.dma_semaphore, #tpu.memory_space<semaphore_mem>>) src(%dma_wait3A_71 : memref<25600xi32, #tpu.memory_space<hbm>>) dst(%arg5 : memref<25600xi32, #tpu.memory_space<vmem>>)
      tpu.yield
    }) : () -> ()
    %dma_start3A = arith.constant 0 : i32
    %dma_start3A_3 = arith.constant 0 : i32
    %dma_start3A_4 = arith.constant 0 : i32
    %dma_start3A_5 = arith.constant 0 : i32
    %dma_start3A_6 = tpu.memref_slice %arg6[%dma_start3A, %dma_start3A_4, %dma_start3A_5] : memref<2x200x128xf32, #tpu.memory_space<vmem>> -> memref<1x200x128xf32, #tpu.memory_space<vmem>>
    %dma_start3A_7 = tpu.memref_squeeze %dma_start3A_6 : memref<1x200x128xf32, #tpu.memory_space<vmem>> -> memref<200x128xf32, #tpu.memory_space<vmem>>
    %dma_start3A_8 = arith.constant 0 : i32
    %dma_start3A_9 = tpu.memref_slice %arg5[%dma_start3A_8] : memref<25600xi32, #tpu.memory_space<vmem>> -> memref<200xi32, #tpu.memory_space<vmem>>
    %dma_start3A_10 = arith.constant 0 : i32
    %dma_start3A_11 = arith.constant 0 : i32
    %dma_start3A_12 = tpu.memref_slice %arg3[%dma_start3A_10, %dma_start3A_11] : memref<1000000x128xf32, #tpu.memory_space<hbm>> -> memref<1000000x128xf32, #tpu.memory_space<hbm>>
    %dma_start3A_13 = tpu.memref_slice %arg8[%dma_start3A_3] : memref<2x!tpu.dma_semaphore, #tpu.memory_space<semaphore_mem>> -> memref<1x!tpu.dma_semaphore, #tpu.memory_space<semaphore_mem>>
    %dma_start3A_14 = tpu.memref_squeeze %dma_start3A_13 : memref<1x!tpu.dma_semaphore, #tpu.memory_space<semaphore_mem>> -> memref<!tpu.dma_semaphore, #tpu.memory_space<semaphore_mem>>
    tpu.enqueue_indirect_dma source(%dma_start3A_12 : memref<1000000x128xf32, #tpu.memory_space<hbm>>) target(%dma_start3A_7 : memref<200x128xf32, #tpu.memory_space<vmem>>) offsets(%dma_start3A_9 : memref<200xi32, #tpu.memory_space<vmem>>) semaphore(%dma_start3A_14 : memref<!tpu.dma_semaphore, #tpu.memory_space<semaphore_mem>>)
    %dma_start3A_15 = arith.constant 1 : i32
    %dma_start3A_16 = arith.constant 1 : i32
    %dma_start3A_17 = arith.constant 0 : i32
    %dma_start3A_18 = arith.constant 0 : i32
    %dma_start3A_19 = tpu.memref_slice %arg6[%dma_start3A_15, %dma_start3A_17, %dma_start3A_18] : memref<2x200x128xf32, #tpu.memory_space<vmem>> -> memref<1x200x128xf32, #tpu.memory_space<vmem>>
    %dma_start3A_20 = tpu.memref_squeeze %dma_start3A_19 : memref<1x200x128xf32, #tpu.memory_space<vmem>> -> memref<200x128xf32, #tpu.memory_space<vmem>>
    %dma_start3A_21 = arith.constant 200 : i32
    %dma_start3A_22 = tpu.memref_slice %arg5[%dma_start3A_21] : memref<25600xi32, #tpu.memory_space<vmem>> -> memref<200xi32, #tpu.memory_space<vmem>>
    %dma_start3A_23 = arith.constant 0 : i32
    %dma_start3A_24 = arith.constant 0 : i32
    %dma_start3A_25 = tpu.memref_slice %arg3[%dma_start3A_23, %dma_start3A_24] : memref<1000000x128xf32, #tpu.memory_space<hbm>> -> memref<1000000x128xf32, #tpu.memory_space<hbm>>
    %dma_start3A_26 = tpu.memref_slice %arg8[%dma_start3A_16] : memref<2x!tpu.dma_semaphore, #tpu.memory_space<semaphore_mem>> -> memref<1x!tpu.dma_semaphore, #tpu.memory_space<semaphore_mem>>
    %dma_start3A_27 = tpu.memref_squeeze %dma_start3A_26 : memref<1x!tpu.dma_semaphore, #tpu.memory_space<semaphore_mem>> -> memref<!tpu.dma_semaphore, #tpu.memory_space<semaphore_mem>>
    tpu.enqueue_indirect_dma source(%dma_start3A_25 : memref<1000000x128xf32, #tpu.memory_space<hbm>>) target(%dma_start3A_20 : memref<200x128xf32, #tpu.memory_space<vmem>>) offsets(%dma_start3A_22 : memref<200xi32, #tpu.memory_space<vmem>>) semaphore(%dma_start3A_27 : memref<!tpu.dma_semaphore, #tpu.memory_space<semaphore_mem>>)
    %scan3A = arith.constant 0 : i32
    %scan3A_28 = arith.constant 0 : i32
    %scan3A_29 = arith.constant 64 : i32
    %scan3A_30 = arith.addi %scan3A_28, %scan3A_29 : i32
    %scan3A_31 = arith.constant 1 : i32
    scf.for %scan3A_68 = %scan3A_28 to %scan3A_30 step %scan3A_31  : i32 {
      %mul3A_69 = arith.constant 2 : i32
      %mul3A_70 = arith.muli %scan3A_68, %mul3A_69 : i32
      %dma_wait3A_71 = arith.constant 0 : i32
      %dma_wait3A_72 = arith.constant 0 : i32
      %dma_wait3A_73 = arith.constant 0 : i32
      %dma_wait3A_74 = arith.constant 0 : i32
      %dma_wait3A_75 = tpu.memref_slice %arg6[%dma_wait3A_71, %dma_wait3A_73, %dma_wait3A_74] : memref<2x200x128xf32, #tpu.memory_space<vmem>> -> memref<1x200x128xf32, #tpu.memory_space<vmem>>
      %dma_wait3A_76 = tpu.memref_squeeze %dma_wait3A_75 : memref<1x200x128xf32, #tpu.memory_space<vmem>> -> memref<200x128xf32, #tpu.memory_space<vmem>>
      %dma_wait3A_77 = arith.constant 0 : i32
      %dma_wait3A_78 = tpu.memref_slice %arg5[%dma_wait3A_77] : memref<25600xi32, #tpu.memory_space<vmem>> -> memref<200xi32, #tpu.memory_space<vmem>>
      %dma_wait3A_79 = arith.constant 0 : i32
      %dma_wait3A_80 = arith.constant 0 : i32
      %dma_wait3A_81 = tpu.memref_slice %arg3[%dma_wait3A_79, %dma_wait3A_80] : memref<1000000x128xf32, #tpu.memory_space<hbm>> -> memref<1000000x128xf32, #tpu.memory_space<hbm>>
      %dma_wait3A_82 = tpu.memref_slice %arg8[%dma_wait3A_72] : memref<2x!tpu.dma_semaphore, #tpu.memory_space<semaphore_mem>> -> memref<1x!tpu.dma_semaphore, #tpu.memory_space<semaphore_mem>>
      %dma_wait3A_83 = tpu.memref_squeeze %dma_wait3A_82 : memref<1x!tpu.dma_semaphore, #tpu.memory_space<semaphore_mem>> -> memref<!tpu.dma_semaphore, #tpu.memory_space<semaphore_mem>>
      tpu.wait_indirect_dma semaphore(%dma_wait3A_83 : memref<!tpu.dma_semaphore, #tpu.memory_space<semaphore_mem>>) src(%dma_wait3A_81 : memref<1000000x128xf32, #tpu.memory_space<hbm>>) dst(%dma_wait3A_76 : memref<200x128xf32, #tpu.memory_space<vmem>>)
      %gt3A = arith.constant 0 : i32
      %gt3A_84 = arith.cmpi sgt, %scan3A_68, %gt3A : i32
      %convert_element_type3A = arith.extui %gt3A_84 : i1 to i32
      %cond3A = arith.constant 0 : i32
      %cond3A_85 = arith.cmpi ne, %convert_element_type3A, %cond3A : i32
      scf.if %cond3A_85 {
        %dma_wait3A_165 = arith.constant 0 : i32
        %dma_wait3A_166 = arith.constant 0 : i32
        %dma_wait3A_167 = arith.constant 0 : i32
        %dma_wait3A_168 = arith.constant 0 : i32
        %dma_wait3A_169 = tpu.memref_slice %arg7[%dma_wait3A_165, %dma_wait3A_167, %dma_wait3A_168] : memref<2x200x64xf32, #tpu.memory_space<vmem>> -> memref<1x200x64xf32, #tpu.memory_space<vmem>>
        %dma_wait3A_170 = tpu.memref_squeeze %dma_wait3A_169 : memref<1x200x64xf32, #tpu.memory_space<vmem>> -> memref<200x64xf32, #tpu.memory_space<vmem>>
        %dma_wait3A_171 = arith.constant 0 : i32
        %dma_wait3A_172 = arith.constant 0 : i32
        %dma_wait3A_173 = tpu.memref_slice %arg4[%dma_wait3A_171, %dma_wait3A_172] : memref<819200x64xf32, #tpu.memory_space<hbm>> -> memref<200x64xf32, #tpu.memory_space<hbm>>
        %dma_wait3A_174 = tpu.memref_slice %arg9[%dma_wait3A_166] : memref<2x!tpu.dma_semaphore, #tpu.memory_space<semaphore_mem>> -> memref<1x!tpu.dma_semaphore, #tpu.memory_space<semaphore_mem>>
        %dma_wait3A_175 = tpu.memref_squeeze %dma_wait3A_174 : memref<1x!tpu.dma_semaphore, #tpu.memory_space<semaphore_mem>> -> memref<!tpu.dma_semaphore, #tpu.memory_space<semaphore_mem>>
        %dma_wait3A_176 = arith.constant 0 : i32
        %dma_wait3A_177 = arith.constant 0 : i32
        %dma_wait3A_178 = tpu.memref_slice %arg4[%dma_wait3A_176, %dma_wait3A_177] : memref<819200x64xf32, #tpu.memory_space<hbm>> -> memref<200x64xf32, #tpu.memory_space<hbm>>
        %dma_wait3A_179 = arith.constant 0 : i32
        %dma_wait3A_180 = arith.constant 0 : i32
        %dma_wait3A_181 = tpu.memref_slice %arg7[%dma_wait3A_165, %dma_wait3A_179, %dma_wait3A_180] : memref<2x200x64xf32, #tpu.memory_space<vmem>> -> memref<1x200x64xf32, #tpu.memory_space<vmem>>
        %dma_wait3A_182 = tpu.memref_squeeze %dma_wait3A_181 : memref<1x200x64xf32, #tpu.memory_space<vmem>> -> memref<200x64xf32, #tpu.memory_space<vmem>>
        tpu.wait_dma2 semaphore(%dma_wait3A_175 : memref<!tpu.dma_semaphore, #tpu.memory_space<semaphore_mem>>) src(%dma_wait3A_182 : memref<200x64xf32, #tpu.memory_space<vmem>>) dst(%dma_wait3A_178 : memref<200x64xf32, #tpu.memory_space<hbm>>)
      } else {
      }
      %scan3A_86 = arith.constant 0 : i32
      %scan3A_87 = arith.constant 0 : i32
      %scan3A_88 = arith.constant 200 : i32
      %scan3A_89 = arith.addi %scan3A_87, %scan3A_88 : i32
      %scan3A_90 = arith.constant 1 : i32
      scf.for %scan3A_165 = %scan3A_87 to %scan3A_89 step %scan3A_90  : i32 {
        %get3A = arith.constant 0 : i32
        %get3A_166 = arith.index_cast %get3A : i32 to index
        %get3A_167 = arith.index_cast %scan3A_165 : i32 to index
        %get3A_168 = arith.constant 0 : index
        %get3A_169 = tpu.vector_load %arg6[%get3A_166, %get3A_167, %get3A_168] {strides = array<i32>} : memref<2x200x128xf32, #tpu.memory_space<vmem>>, vector<16xf32>,
        %swap3A = arith.constant 0 : i32
        %swap3A_170 = arith.index_cast %swap3A : i32 to index
        %swap3A_171 = arith.index_cast %scan3A_165 : i32 to index
        %swap3A_172 = arith.constant 0 : index
        %swap3A_173 = tpu.vector_load %arg7[%swap3A_170, %swap3A_171, %swap3A_172] {strides = array<i32>} : memref<2x200x64xf32, #tpu.memory_space<vmem>>, vector<16xf32>,
        tpu.vector_store %arg7[%swap3A_170, %swap3A_171, %swap3A_172], %get3A_169 {strides = array<i32>} : memref<2x200x64xf32, #tpu.memory_space<vmem>>, vector<16xf32>,
        %get3A_174 = arith.constant 0 : i32
        %get3A_175 = arith.index_cast %get3A_174 : i32 to index
        %get3A_176 = arith.index_cast %scan3A_165 : i32 to index
        %get3A_177 = arith.constant 16 : index
        %get3A_178 = tpu.vector_load %arg6[%get3A_175, %get3A_176, %get3A_177] {strides = array<i32>} : memref<2x200x128xf32, #tpu.memory_space<vmem>>, vector<16xf32>,
        %swap3A_179 = arith.constant 0 : i32
        %swap3A_180 = arith.index_cast %swap3A_179 : i32 to index
        %swap3A_181 = arith.index_cast %scan3A_165 : i32 to index
        %swap3A_182 = arith.constant 16 : index
        %swap3A_183 = tpu.vector_load %arg7[%swap3A_180, %swap3A_181, %swap3A_182] {strides = array<i32>} : memref<2x200x64xf32, #tpu.memory_space<vmem>>, vector<16xf32>,
        tpu.vector_store %arg7[%swap3A_180, %swap3A_181, %swap3A_182], %get3A_178 {strides = array<i32>} : memref<2x200x64xf32, #tpu.memory_space<vmem>>, vector<16xf32>,
        %get3A_184 = arith.constant 0 : i32
        %get3A_185 = arith.index_cast %get3A_184 : i32 to index
        %get3A_186 = arith.index_cast %scan3A_165 : i32 to index
        %get3A_187 = arith.constant 32 : index
        %get3A_188 = tpu.vector_load %arg6[%get3A_185, %get3A_186, %get3A_187] {strides = array<i32>} : memref<2x200x128xf32, #tpu.memory_space<vmem>>, vector<16xf32>,
        %swap3A_189 = arith.constant 0 : i32
        %swap3A_190 = arith.index_cast %swap3A_189 : i32 to index
        %swap3A_191 = arith.index_cast %scan3A_165 : i32 to index
        %swap3A_192 = arith.constant 32 : index
        %swap3A_193 = tpu.vector_load %arg7[%swap3A_190, %swap3A_191, %swap3A_192] {strides = array<i32>} : memref<2x200x64xf32, #tpu.memory_space<vmem>>, vector<16xf32>,
        tpu.vector_store %arg7[%swap3A_190, %swap3A_191, %swap3A_192], %get3A_188 {strides = array<i32>} : memref<2x200x64xf32, #tpu.memory_space<vmem>>, vector<16xf32>,
        %get3A_194 = arith.constant 0 : i32
        %get3A_195 = arith.index_cast %get3A_194 : i32 to index
        %get3A_196 = arith.index_cast %scan3A_165 : i32 to index
        %get3A_197 = arith.constant 48 : index
        %get3A_198 = tpu.vector_load %arg6[%get3A_195, %get3A_196, %get3A_197] {strides = array<i32>} : memref<2x200x128xf32, #tpu.memory_space<vmem>>, vector<16xf32>,
        %swap3A_199 = arith.constant 0 : i32
        %swap3A_200 = arith.index_cast %swap3A_199 : i32 to index
        %swap3A_201 = arith.index_cast %scan3A_165 : i32 to index
        %swap3A_202 = arith.constant 48 : index
        %swap3A_203 = tpu.vector_load %arg7[%swap3A_200, %swap3A_201, %swap3A_202] {strides = array<i32>} : memref<2x200x64xf32, #tpu.memory_space<vmem>>, vector<16xf32>,
        tpu.vector_store %arg7[%swap3A_200, %swap3A_201, %swap3A_202], %get3A_198 {strides = array<i32>} : memref<2x200x64xf32, #tpu.memory_space<vmem>>, vector<16xf32>,
      }
      %scan3A_91 = arith.constant 200 : i32
      %mul3A_92 = arith.constant 200 : i32
      %mul3A_93 = arith.muli %mul3A_70, %mul3A_92 : i32
      %add3A_94 = arith.addi %mul3A_2, %mul3A_93 : i32
      %dma_start3A_95 = arith.constant 0 : i32
      %dma_start3A_96 = arith.constant 0 : i32
      %dma_start3A_97 = arith.constant 0 : i32
      %dma_start3A_98 = arith.constant 0 : i32
      %dma_start3A_99 = tpu.memref_slice %arg7[%dma_start3A_95, %dma_start3A_97, %dma_start3A_98] : memref<2x200x64xf32, #tpu.memory_space<vmem>> -> memref<1x200x64xf32, #tpu.memory_space<vmem>>
      %dma_start3A_100 = tpu.memref_squeeze %dma_start3A_99 : memref<1x200x64xf32, #tpu.memory_space<vmem>> -> memref<200x64xf32, #tpu.memory_space<vmem>>
      %dma_start3A_101 = arith.constant 0 : i32
      %dma_start3A_102 = tpu.memref_slice %arg4[%add3A_94, %dma_start3A_101] : memref<819200x64xf32, #tpu.memory_space<hbm>> -> memref<200x64xf32, #tpu.memory_space<hbm>>
      %dma_start3A_103 = tpu.memref_slice %arg9[%dma_start3A_96] : memref<2x!tpu.dma_semaphore, #tpu.memory_space<semaphore_mem>> -> memref<1x!tpu.dma_semaphore, #tpu.memory_space<semaphore_mem>>
      %dma_start3A_104 = tpu.memref_squeeze %dma_start3A_103 : memref<1x!tpu.dma_semaphore, #tpu.memory_space<semaphore_mem>> -> memref<!tpu.dma_semaphore, #tpu.memory_space<semaphore_mem>>
      %dma_start3A_105 = arith.constant 0 : i32
      %dma_start3A_106 = tpu.memref_slice %arg4[%add3A_94, %dma_start3A_105] : memref<819200x64xf32, #tpu.memory_space<hbm>> -> memref<200x64xf32, #tpu.memory_space<hbm>>
      %dma_start3A_107 = arith.constant 0 : i32
      %dma_start3A_108 = arith.constant 0 : i32
      %dma_start3A_109 = tpu.memref_slice %arg7[%dma_start3A_95, %dma_start3A_107, %dma_start3A_108] : memref<2x200x64xf32, #tpu.memory_space<vmem>> -> memref<1x200x64xf32, #tpu.memory_space<vmem>>
      %dma_start3A_110 = tpu.memref_squeeze %dma_start3A_109 : memref<1x200x64xf32, #tpu.memory_space<vmem>> -> memref<200x64xf32, #tpu.memory_space<vmem>>
      tpu.enqueue_dma source(%dma_start3A_110 : memref<200x64xf32, #tpu.memory_space<vmem>>) target(%dma_start3A_106 : memref<200x64xf32, #tpu.memory_space<hbm>>) target_semaphore(%dma_start3A_104 : memref<!tpu.dma_semaphore, #tpu.memory_space<semaphore_mem>>)
      %lt3A = arith.constant 63 : i32
      %lt3A_111 = arith.cmpi slt, %scan3A_68, %lt3A : i32
      %convert_element_type3A_112 = arith.extui %lt3A_111 : i1 to i32
      %cond3A_113 = arith.constant 0 : i32
      %cond3A_114 = arith.cmpi ne, %convert_element_type3A_112, %cond3A_113 : i32
      scf.if %cond3A_114 {
        %add3A_165 = arith.constant 2 : i32
        %add3A_166 = arith.addi %mul3A_70, %add3A_165 : i32
        %mul3A_167 = arith.constant 200 : i32
        %mul3A_168 = arith.muli %add3A_166, %mul3A_167 : i32
        %dma_start3A_169 = arith.constant 0 : i32
        %dma_start3A_170 = arith.constant 0 : i32
        %dma_start3A_171 = arith.constant 0 : i32
        %dma_start3A_172 = arith.constant 0 : i32
        %dma_start3A_173 = tpu.memref_slice %arg6[%dma_start3A_169, %dma_start3A_171, %dma_start3A_172] : memref<2x200x128xf32, #tpu.memory_space<vmem>> -> memref<1x200x128xf32, #tpu.memory_space<vmem>>
        %dma_start3A_174 = tpu.memref_squeeze %dma_start3A_173 : memref<1x200x128xf32, #tpu.memory_space<vmem>> -> memref<200x128xf32, #tpu.memory_space<vmem>>
        %dma_start3A_175 = tpu.memref_slice %arg5[%mul3A_168] : memref<25600xi32, #tpu.memory_space<vmem>> -> memref<200xi32, #tpu.memory_space<vmem>>
        %dma_start3A_176 = arith.constant 0 : i32
        %dma_start3A_177 = arith.constant 0 : i32
        %dma_start3A_178 = tpu.memref_slice %arg3[%dma_start3A_176, %dma_start3A_177] : memref<1000000x128xf32, #tpu.memory_space<hbm>> -> memref<1000000x128xf32, #tpu.memory_space<hbm>>
        %dma_start3A_179 = tpu.memref_slice %arg8[%dma_start3A_170] : memref<2x!tpu.dma_semaphore, #tpu.memory_space<semaphore_mem>> -> memref<1x!tpu.dma_semaphore, #tpu.memory_space<semaphore_mem>>
        %dma_start3A_180 = tpu.memref_squeeze %dma_start3A_179 : memref<1x!tpu.dma_semaphore, #tpu.memory_space<semaphore_mem>> -> memref<!tpu.dma_semaphore, #tpu.memory_space<semaphore_mem>>
        tpu.enqueue_indirect_dma source(%dma_start3A_178 : memref<1000000x128xf32, #tpu.memory_space<hbm>>) target(%dma_start3A_174 : memref<200x128xf32, #tpu.memory_space<vmem>>) offsets(%dma_start3A_175 : memref<200xi32, #tpu.memory_space<vmem>>) semaphore(%dma_start3A_180 : memref<!tpu.dma_semaphore, #tpu.memory_space<semaphore_mem>>)
      } else {
      }
      %dma_wait3A_115 = arith.constant 1 : i32
      %dma_wait3A_116 = arith.constant 1 : i32
      %dma_wait3A_117 = arith.constant 0 : i32
      %dma_wait3A_118 = arith.constant 0 : i32
      %dma_wait3A_119 = tpu.memref_slice %arg6[%dma_wait3A_115, %dma_wait3A_117, %dma_wait3A_118] : memref<2x200x128xf32, #tpu.memory_space<vmem>> -> memref<1x200x128xf32, #tpu.memory_space<vmem>>
      %dma_wait3A_120 = tpu.memref_squeeze %dma_wait3A_119 : memref<1x200x128xf32, #tpu.memory_space<vmem>> -> memref<200x128xf32, #tpu.memory_space<vmem>>
      %dma_wait3A_121 = arith.constant 0 : i32
      %dma_wait3A_122 = tpu.memref_slice %arg5[%dma_wait3A_121] : memref<25600xi32, #tpu.memory_space<vmem>> -> memref<200xi32, #tpu.memory_space<vmem>>
      %dma_wait3A_123 = arith.constant 0 : i32
      %dma_wait3A_124 = arith.constant 0 : i32
      %dma_wait3A_125 = tpu.memref_slice %arg3[%dma_wait3A_123, %dma_wait3A_124] : memref<1000000x128xf32, #tpu.memory_space<hbm>> -> memref<1000000x128xf32, #tpu.memory_space<hbm>>
      %dma_wait3A_126 = tpu.memref_slice %arg8[%dma_wait3A_116] : memref<2x!tpu.dma_semaphore, #tpu.memory_space<semaphore_mem>> -> memref<1x!tpu.dma_semaphore, #tpu.memory_space<semaphore_mem>>
      %dma_wait3A_127 = tpu.memref_squeeze %dma_wait3A_126 : memref<1x!tpu.dma_semaphore, #tpu.memory_space<semaphore_mem>> -> memref<!tpu.dma_semaphore, #tpu.memory_space<semaphore_mem>>
      tpu.wait_indirect_dma semaphore(%dma_wait3A_127 : memref<!tpu.dma_semaphore, #tpu.memory_space<semaphore_mem>>) src(%dma_wait3A_125 : memref<1000000x128xf32, #tpu.memory_space<hbm>>) dst(%dma_wait3A_120 : memref<200x128xf32, #tpu.memory_space<vmem>>)
      %gt3A_128 = arith.constant 0 : i32
      %gt3A_129 = arith.cmpi sgt, %scan3A_68, %gt3A_128 : i32
      %convert_element_type3A_130 = arith.extui %gt3A_129 : i1 to i32
      %cond3A_131 = arith.constant 0 : i32
      %cond3A_132 = arith.cmpi ne, %convert_element_type3A_130, %cond3A_131 : i32
      scf.if %cond3A_132 {
        %dma_wait3A_165 = arith.constant 1 : i32
        %dma_wait3A_166 = arith.constant 1 : i32
        %dma_wait3A_167 = arith.constant 0 : i32
        %dma_wait3A_168 = arith.constant 0 : i32
        %dma_wait3A_169 = tpu.memref_slice %arg7[%dma_wait3A_165, %dma_wait3A_167, %dma_wait3A_168] : memref<2x200x64xf32, #tpu.memory_space<vmem>> -> memref<1x200x64xf32, #tpu.memory_space<vmem>>
        %dma_wait3A_170 = tpu.memref_squeeze %dma_wait3A_169 : memref<1x200x64xf32, #tpu.memory_space<vmem>> -> memref<200x64xf32, #tpu.memory_space<vmem>>
        %dma_wait3A_171 = arith.constant 0 : i32
        %dma_wait3A_172 = arith.constant 0 : i32
        %dma_wait3A_173 = tpu.memref_slice %arg4[%dma_wait3A_171, %dma_wait3A_172] : memref<819200x64xf32, #tpu.memory_space<hbm>> -> memref<200x64xf32, #tpu.memory_space<hbm>>
        %dma_wait3A_174 = tpu.memref_slice %arg9[%dma_wait3A_166] : memref<2x!tpu.dma_semaphore, #tpu.memory_space<semaphore_mem>> -> memref<1x!tpu.dma_semaphore, #tpu.memory_space<semaphore_mem>>
        %dma_wait3A_175 = tpu.memref_squeeze %dma_wait3A_174 : memref<1x!tpu.dma_semaphore, #tpu.memory_space<semaphore_mem>> -> memref<!tpu.dma_semaphore, #tpu.memory_space<semaphore_mem>>
        %dma_wait3A_176 = arith.constant 0 : i32
        %dma_wait3A_177 = arith.constant 0 : i32
        %dma_wait3A_178 = tpu.memref_slice %arg4[%dma_wait3A_176, %dma_wait3A_177] : memref<819200x64xf32, #tpu.memory_space<hbm>> -> memref<200x64xf32, #tpu.memory_space<hbm>>
        %dma_wait3A_179 = arith.constant 0 : i32
        %dma_wait3A_180 = arith.constant 0 : i32
        %dma_wait3A_181 = tpu.memref_slice %arg7[%dma_wait3A_165, %dma_wait3A_179, %dma_wait3A_180] : memref<2x200x64xf32, #tpu.memory_space<vmem>> -> memref<1x200x64xf32, #tpu.memory_space<vmem>>
        %dma_wait3A_182 = tpu.memref_squeeze %dma_wait3A_181 : memref<1x200x64xf32, #tpu.memory_space<vmem>> -> memref<200x64xf32, #tpu.memory_space<vmem>>
        tpu.wait_dma2 semaphore(%dma_wait3A_175 : memref<!tpu.dma_semaphore, #tpu.memory_space<semaphore_mem>>) src(%dma_wait3A_182 : memref<200x64xf32, #tpu.memory_space<vmem>>) dst(%dma_wait3A_178 : memref<200x64xf32, #tpu.memory_space<hbm>>)
      } else {
      }
      %scan3A_133 = arith.constant 0 : i32
      %scan3A_134 = arith.constant 0 : i32
      %scan3A_135 = arith.constant 200 : i32
      %scan3A_136 = arith.addi %scan3A_134, %scan3A_135 : i32
      %scan3A_137 = arith.constant 1 : i32
      scf.for %scan3A_165 = %scan3A_134 to %scan3A_136 step %scan3A_137  : i32 {
        %get3A = arith.constant 1 : i32
        %get3A_166 = arith.index_cast %get3A : i32 to index
        %get3A_167 = arith.index_cast %scan3A_165 : i32 to index
        %get3A_168 = arith.constant 0 : index
        %get3A_169 = tpu.vector_load %arg6[%get3A_166, %get3A_167, %get3A_168] {strides = array<i32>} : memref<2x200x128xf32, #tpu.memory_space<vmem>>, vector<16xf32>,
        %swap3A = arith.constant 1 : i32
        %swap3A_170 = arith.index_cast %swap3A : i32 to index
        %swap3A_171 = arith.index_cast %scan3A_165 : i32 to index
        %swap3A_172 = arith.constant 0 : index
        %swap3A_173 = tpu.vector_load %arg7[%swap3A_170, %swap3A_171, %swap3A_172] {strides = array<i32>} : memref<2x200x64xf32, #tpu.memory_space<vmem>>, vector<16xf32>,
        tpu.vector_store %arg7[%swap3A_170, %swap3A_171, %swap3A_172], %get3A_169 {strides = array<i32>} : memref<2x200x64xf32, #tpu.memory_space<vmem>>, vector<16xf32>,
        %get3A_174 = arith.constant 1 : i32
        %get3A_175 = arith.index_cast %get3A_174 : i32 to index
        %get3A_176 = arith.index_cast %scan3A_165 : i32 to index
        %get3A_177 = arith.constant 16 : index
        %get3A_178 = tpu.vector_load %arg6[%get3A_175, %get3A_176, %get3A_177] {strides = array<i32>} : memref<2x200x128xf32, #tpu.memory_space<vmem>>, vector<16xf32>,
        %swap3A_179 = arith.constant 1 : i32
        %swap3A_180 = arith.index_cast %swap3A_179 : i32 to index
        %swap3A_181 = arith.index_cast %scan3A_165 : i32 to index
        %swap3A_182 = arith.constant 16 : index
        %swap3A_183 = tpu.vector_load %arg7[%swap3A_180, %swap3A_181, %swap3A_182] {strides = array<i32>} : memref<2x200x64xf32, #tpu.memory_space<vmem>>, vector<16xf32>,
        tpu.vector_store %arg7[%swap3A_180, %swap3A_181, %swap3A_182], %get3A_178 {strides = array<i32>} : memref<2x200x64xf32, #tpu.memory_space<vmem>>, vector<16xf32>,
        %get3A_184 = arith.constant 1 : i32
        %get3A_185 = arith.index_cast %get3A_184 : i32 to index
        %get3A_186 = arith.index_cast %scan3A_165 : i32 to index
        %get3A_187 = arith.constant 32 : index
        %get3A_188 = tpu.vector_load %arg6[%get3A_185, %get3A_186, %get3A_187] {strides = array<i32>} : memref<2x200x128xf32, #tpu.memory_space<vmem>>, vector<16xf32>,
        %swap3A_189 = arith.constant 1 : i32
        %swap3A_190 = arith.index_cast %swap3A_189 : i32 to index
        %swap3A_191 = arith.index_cast %scan3A_165 : i32 to index
        %swap3A_192 = arith.constant 32 : index
        %swap3A_193 = tpu.vector_load %arg7[%swap3A_190, %swap3A_191, %swap3A_192] {strides = array<i32>} : memref<2x200x64xf32, #tpu.memory_space<vmem>>, vector<16xf32>,
        tpu.vector_store %arg7[%swap3A_190, %swap3A_191, %swap3A_192], %get3A_188 {strides = array<i32>} : memref<2x200x64xf32, #tpu.memory_space<vmem>>, vector<16xf32>,
        %get3A_194 = arith.constant 1 : i32
        %get3A_195 = arith.index_cast %get3A_194 : i32 to index
        %get3A_196 = arith.index_cast %scan3A_165 : i32 to index
        %get3A_197 = arith.constant 48 : index
        %get3A_198 = tpu.vector_load %arg6[%get3A_195, %get3A_196, %get3A_197] {strides = array<i32>} : memref<2x200x128xf32, #tpu.memory_space<vmem>>, vector<16xf32>,
        %swap3A_199 = arith.constant 1 : i32
        %swap3A_200 = arith.index_cast %swap3A_199 : i32 to index
        %swap3A_201 = arith.index_cast %scan3A_165 : i32 to index
        %swap3A_202 = arith.constant 48 : index
        %swap3A_203 = tpu.vector_load %arg7[%swap3A_200, %swap3A_201, %swap3A_202] {strides = array<i32>} : memref<2x200x64xf32, #tpu.memory_space<vmem>>, vector<16xf32>,
        tpu.vector_store %arg7[%swap3A_200, %swap3A_201, %swap3A_202], %get3A_198 {strides = array<i32>} : memref<2x200x64xf32, #tpu.memory_space<vmem>>, vector<16xf32>,
      }
      %scan3A_138 = arith.constant 200 : i32
      %add3A_139 = arith.constant 1 : i32
      %add3A_140 = arith.addi %mul3A_70, %add3A_139 : i32
      %mul3A_141 = arith.constant 200 : i32
      %mul3A_142 = arith.muli %add3A_140, %mul3A_141 : i32
      %add3A_143 = arith.addi %mul3A_2, %mul3A_142 : i32
      %dma_start3A_144 = arith.constant 1 : i32
      %dma_start3A_145 = arith.constant 1 : i32
      %dma_start3A_146 = arith.constant 0 : i32
      %dma_start3A_147 = arith.constant 0 : i32
      %dma_start3A_148 = tpu.memref_slice %arg7[%dma_start3A_144, %dma_start3A_146, %dma_start3A_147] : memref<2x200x64xf32, #tpu.memory_space<vmem>> -> memref<1x200x64xf32, #tpu.memory_space<vmem>>
      %dma_start3A_149 = tpu.memref_squeeze %dma_start3A_148 : memref<1x200x64xf32, #tpu.memory_space<vmem>> -> memref<200x64xf32, #tpu.memory_space<vmem>>
      %dma_start3A_150 = arith.constant 0 : i32
      %dma_start3A_151 = tpu.memref_slice %arg4[%add3A_143, %dma_start3A_150] : memref<819200x64xf32, #tpu.memory_space<hbm>> -> memref<200x64xf32, #tpu.memory_space<hbm>>
      %dma_start3A_152 = tpu.memref_slice %arg9[%dma_start3A_145] : memref<2x!tpu.dma_semaphore, #tpu.memory_space<semaphore_mem>> -> memref<1x!tpu.dma_semaphore, #tpu.memory_space<semaphore_mem>>
      %dma_start3A_153 = tpu.memref_squeeze %dma_start3A_152 : memref<1x!tpu.dma_semaphore, #tpu.memory_space<semaphore_mem>> -> memref<!tpu.dma_semaphore, #tpu.memory_space<semaphore_mem>>
      %dma_start3A_154 = arith.constant 0 : i32
      %dma_start3A_155 = tpu.memref_slice %arg4[%add3A_143, %dma_start3A_154] : memref<819200x64xf32, #tpu.memory_space<hbm>> -> memref<200x64xf32, #tpu.memory_space<hbm>>
      %dma_start3A_156 = arith.constant 0 : i32
      %dma_start3A_157 = arith.constant 0 : i32
      %dma_start3A_158 = tpu.memref_slice %arg7[%dma_start3A_144, %dma_start3A_156, %dma_start3A_157] : memref<2x200x64xf32, #tpu.memory_space<vmem>> -> memref<1x200x64xf32, #tpu.memory_space<vmem>>
      %dma_start3A_159 = tpu.memref_squeeze %dma_start3A_158 : memref<1x200x64xf32, #tpu.memory_space<vmem>> -> memref<200x64xf32, #tpu.memory_space<vmem>>
      tpu.enqueue_dma source(%dma_start3A_159 : memref<200x64xf32, #tpu.memory_space<vmem>>) target(%dma_start3A_155 : memref<200x64xf32, #tpu.memory_space<hbm>>) target_semaphore(%dma_start3A_153 : memref<!tpu.dma_semaphore, #tpu.memory_space<semaphore_mem>>)
      %lt3A_160 = arith.constant 63 : i32
      %lt3A_161 = arith.cmpi slt, %scan3A_68, %lt3A_160 : i32
      %convert_element_type3A_162 = arith.extui %lt3A_161 : i1 to i32
      %cond3A_163 = arith.constant 0 : i32
      %cond3A_164 = arith.cmpi ne, %convert_element_type3A_162, %cond3A_163 : i32
      scf.if %cond3A_164 {
        %add3A_165 = arith.constant 3 : i32
        %add3A_166 = arith.addi %mul3A_70, %add3A_165 : i32
        %mul3A_167 = arith.constant 200 : i32
        %mul3A_168 = arith.muli %add3A_166, %mul3A_167 : i32
        %dma_start3A_169 = arith.constant 1 : i32
        %dma_start3A_170 = arith.constant 1 : i32
        %dma_start3A_171 = arith.constant 0 : i32
        %dma_start3A_172 = arith.constant 0 : i32
        %dma_start3A_173 = tpu.memref_slice %arg6[%dma_start3A_169, %dma_start3A_171, %dma_start3A_172] : memref<2x200x128xf32, #tpu.memory_space<vmem>> -> memref<1x200x128xf32, #tpu.memory_space<vmem>>
        %dma_start3A_174 = tpu.memref_squeeze %dma_start3A_173 : memref<1x200x128xf32, #tpu.memory_space<vmem>> -> memref<200x128xf32, #tpu.memory_space<vmem>>
        %dma_start3A_175 = tpu.memref_slice %arg5[%mul3A_168] : memref<25600xi32, #tpu.memory_space<vmem>> -> memref<200xi32, #tpu.memory_space<vmem>>
        %dma_start3A_176 = arith.constant 0 : i32
        %dma_start3A_177 = arith.constant 0 : i32
        %dma_start3A_178 = tpu.memref_slice %arg3[%dma_start3A_176, %dma_start3A_177] : memref<1000000x128xf32, #tpu.memory_space<hbm>> -> memref<1000000x128xf32, #tpu.memory_space<hbm>>
        %dma_start3A_179 = tpu.memref_slice %arg8[%dma_start3A_170] : memref<2x!tpu.dma_semaphore, #tpu.memory_space<semaphore_mem>> -> memref<1x!tpu.dma_semaphore, #tpu.memory_space<semaphore_mem>>
        %dma_start3A_180 = tpu.memref_squeeze %dma_start3A_179 : memref<1x!tpu.dma_semaphore, #tpu.memory_space<semaphore_mem>> -> memref<!tpu.dma_semaphore, #tpu.memory_space<semaphore_mem>>
        tpu.enqueue_indirect_dma source(%dma_start3A_178 : memref<1000000x128xf32, #tpu.memory_space<hbm>>) target(%dma_start3A_174 : memref<200x128xf32, #tpu.memory_space<vmem>>) offsets(%dma_start3A_175 : memref<200xi32, #tpu.memory_space<vmem>>) semaphore(%dma_start3A_180 : memref<!tpu.dma_semaphore, #tpu.memory_space<semaphore_mem>>)
      } else {
      }
    }
    %scan3A_32 = arith.constant 64 : i32
    %dma_wait3A = arith.constant 0 : i32
    %dma_wait3A_33 = arith.constant 0 : i32
    %dma_wait3A_34 = arith.constant 0 : i32
    %dma_wait3A_35 = arith.constant 0 : i32
    %dma_wait3A_36 = tpu.memref_slice %arg7[%dma_wait3A, %dma_wait3A_34, %dma_wait3A_35] : memref<2x200x64xf32, #tpu.memory_space<vmem>> -> memref<1x200x64xf32, #tpu.memory_space<vmem>>
    %dma_wait3A_37 = tpu.memref_squeeze %dma_wait3A_36 : memref<1x200x64xf32, #tpu.memory_space<vmem>> -> memref<200x64xf32, #tpu.memory_space<vmem>>
    %dma_wait3A_38 = arith.constant 0 : i32
    %dma_wait3A_39 = arith.constant 0 : i32
    %dma_wait3A_40 = tpu.memref_slice %arg4[%dma_wait3A_38, %dma_wait3A_39] : memref<819200x64xf32, #tpu.memory_space<hbm>> -> memref<200x64xf32, #tpu.memory_space<hbm>>
    %dma_wait3A_41 = tpu.memref_slice %arg9[%dma_wait3A_33] : memref<2x!tpu.dma_semaphore, #tpu.memory_space<semaphore_mem>> -> memref<1x!tpu.dma_semaphore, #tpu.memory_space<semaphore_mem>>
    %dma_wait3A_42 = tpu.memref_squeeze %dma_wait3A_41 : memref<1x!tpu.dma_semaphore, #tpu.memory_space<semaphore_mem>> -> memref<!tpu.dma_semaphore, #tpu.memory_space<semaphore_mem>>
    %dma_wait3A_43 = arith.constant 0 : i32
    %dma_wait3A_44 = arith.constant 0 : i32
    %dma_wait3A_45 = tpu.memref_slice %arg4[%dma_wait3A_43, %dma_wait3A_44] : memref<819200x64xf32, #tpu.memory_space<hbm>> -> memref<200x64xf32, #tpu.memory_space<hbm>>
    %dma_wait3A_46 = arith.constant 0 : i32
    %dma_wait3A_47 = arith.constant 0 : i32
    %dma_wait3A_48 = tpu.memref_slice %arg7[%dma_wait3A, %dma_wait3A_46, %dma_wait3A_47] : memref<2x200x64xf32, #tpu.memory_space<vmem>> -> memref<1x200x64xf32, #tpu.memory_space<vmem>>
    %dma_wait3A_49 = tpu.memref_squeeze %dma_wait3A_48 : memref<1x200x64xf32, #tpu.memory_space<vmem>> -> memref<200x64xf32, #tpu.memory_space<vmem>>
    tpu.wait_dma2 semaphore(%dma_wait3A_42 : memref<!tpu.dma_semaphore, #tpu.memory_space<semaphore_mem>>) src(%dma_wait3A_49 : memref<200x64xf32, #tpu.memory_space<vmem>>) dst(%dma_wait3A_45 : memref<200x64xf32, #tpu.memory_space<hbm>>)
    %dma_wait3A_50 = arith.constant 1 : i32
    %dma_wait3A_51 = arith.constant 1 : i32
    %dma_wait3A_52 = arith.constant 0 : i32
    %dma_wait3A_53 = arith.constant 0 : i32
    %dma_wait3A_54 = tpu.memref_slice %arg7[%dma_wait3A_50, %dma_wait3A_52, %dma_wait3A_53] : memref<2x200x64xf32, #tpu.memory_space<vmem>> -> memref<1x200x64xf32, #tpu.memory_space<vmem>>
    %dma_wait3A_55 = tpu.memref_squeeze %dma_wait3A_54 : memref<1x200x64xf32, #tpu.memory_space<vmem>> -> memref<200x64xf32, #tpu.memory_space<vmem>>
    %dma_wait3A_56 = arith.constant 0 : i32
    %dma_wait3A_57 = arith.constant 0 : i32
    %dma_wait3A_58 = tpu.memref_slice %arg4[%dma_wait3A_56, %dma_wait3A_57] : memref<819200x64xf32, #tpu.memory_space<hbm>> -> memref<200x64xf32, #tpu.memory_space<hbm>>
    %dma_wait3A_59 = tpu.memref_slice %arg9[%dma_wait3A_51] : memref<2x!tpu.dma_semaphore, #tpu.memory_space<semaphore_mem>> -> memref<1x!tpu.dma_semaphore, #tpu.memory_space<semaphore_mem>>
    %dma_wait3A_60 = tpu.memref_squeeze %dma_wait3A_59 : memref<1x!tpu.dma_semaphore, #tpu.memory_space<semaphore_mem>> -> memref<!tpu.dma_semaphore, #tpu.memory_space<semaphore_mem>>
    %dma_wait3A_61 = arith.constant 0 : i32
    %dma_wait3A_62 = arith.constant 0 : i32
    %dma_wait3A_63 = tpu.memref_slice %arg4[%dma_wait3A_61, %dma_wait3A_62] : memref<819200x64xf32, #tpu.memory_space<hbm>> -> memref<200x64xf32, #tpu.memory_space<hbm>>
    %dma_wait3A_64 = arith.constant 0 : i32
    %dma_wait3A_65 = arith.constant 0 : i32
    %dma_wait3A_66 = tpu.memref_slice %arg7[%dma_wait3A_50, %dma_wait3A_64, %dma_wait3A_65] : memref<2x200x64xf32, #tpu.memory_space<vmem>> -> memref<1x200x64xf32, #tpu.memory_space<vmem>>
    %dma_wait3A_67 = tpu.memref_squeeze %dma_wait3A_66 : memref<1x200x64xf32, #tpu.memory_space<vmem>> -> memref<200x64xf32, #tpu.memory_space<vmem>>
    tpu.wait_dma2 semaphore(%dma_wait3A_60 : memref<!tpu.dma_semaphore, #tpu.memory_space<semaphore_mem>>) src(%dma_wait3A_67 : memref<200x64xf32, #tpu.memory_space<vmem>>) dst(%dma_wait3A_63 : memref<200x64xf32, #tpu.memory_space<hbm>>)
    return
  }
}

</mosaic_0001>

<sc_bundles>
// kernel: _embed.3.cloned.1.call-start
scs
__scs_entry_jumppad:
0x0: {  	(pc) =	sbr.rel $0x88, $3  }
0x1: {  	(tag) =	ssettag $0x0;
	lr =	simm.s32 $0x1  }
0x2: {  	[smem:$0x3F9F] =	sst lr;
	_ =	strace $0xD0000000  }
0x3: {  	_ = 	snop  }
0x4: {  	_ = 	snop  }
0x5: {  	_ = 	snop  }
0x6: {  	_ = 	snop  }
0x7: {  	_ = 	snop  }
__scs_overlays_trampoline_lowered:
0x8: {  	[smem:$0x3FAE] =	sst s0  }
0x9: {  	[smem:$0x3FAF] =	sst s1  }
0xa: {  	[smem:$0x3FB0] =	sst s2  }
0xb: {  	[smem:$0x3FB1] =	sst s3  }
0xc: {  	[smem:$0x3FB2] =	sst s4  }
0xd: {  	[smem:$0x3FB3] =	sst s5  }
0xe: {  	[smem:$0x3FB4] =	sst s6  }
0xf: {  	[smem:$0x3FB5] =	sst s7  }
0x10: {  	[smem:$0x3FB6] =	sst s8  }
0x11: {  	[smem:$0x3FB7] =	sst s9;
	s0 =	simm.s32 @!p0 $0x0  }
0x12: {  	s1 =	sld [smem:$0x3F9D];
	s0 =	simm.s32 @p0 $0x1  }
0x13: {  	[smem:$0x3FB8] =	sst s0;
	s0 =	simm.s32 @!p1 $0x0  }
0x14: {  	s2 =	sld [smem:$0x3F9C];
	s0 =	simm.s32 @p1 $0x1  }
0x15: {  	[smem:$0x3FB9] =	sst s0;
	s0 =	simm.s32 @!p2 $0x0  }
0x16: {  	s3 =	sld [smem:$0x3FDB];
	s0 =	simm.s32 @p2 $0x1  }
0x17: {  	s4 =	simm.s32 $0x1BF5;
	[smem:$0x3FBB] =	sst s0  }
0x18: {  	s0 =	sld [smem:$0x3F9E];
	_ =	swait.ge [sflag:s4], $0x0  }
0x19: {  	s7 =	sld [smem:$0x3F9F]  }
0x1a: {  	s8 =	sadd.s32 $0xFFFFE003, lr  }
0x1b: {  	s9 =	sadd.s32 $0xFFFFFEF7, lr;
	s5 =	simm.s32 $0xFFFFFFFF;
	p2 =	slt.u32 s8, $0xFFFFF086  }
0x1c: {  	p1 =	slt.u32 s9, $0xF7A;
	s5 =	simm.s32 @!p2 $0x0  }
0x1d: {  	s5 =	simm.s32 @p1 $0x1;
	p0 =	seq.s32 s7, s2  }
0x1e: {  	s7 =	smul.u32 @!p0 $0xF7A, s2;
	p2 =	seq.s32 @!p0 s5, $0x0  }
0x1f: {  	s9 =	smul.u32 $0xF7A, s1;
	s8 =	simm.s32 @!p0 $0x1BF5;
	p2 =	por !p2, p0  }
0x20: {  	[sflag:s8] =	ssyncset.s32 @!p0 $0xFFFFF086;
	s6 =	sadd.s32 @!p0 s3, s7;
	s7 =	simm.s32 @!p0 $0x108  }
0x21: {  	s3 =	sadd.s32 s3, s9;
	s6 =	sadd.s32 @!p0 $0x88, s6;
	s7 =	simm.s32 @p2 $0x1082  }
0x22: {  	[simem:s7], [sflag:s8] =	dma.local @!p0 [hbm:s6], $0xF7A  }
0x23: {  	s9 =	sor.u32 $0xD0000000, s2;
	s6 =	simm.s32 $0x108;
	_ =	swait.ge @!p0 [sflag:s8], $0x0  }
0x24: {  	s3 =	sadd.s32 $0x88, s3;
	s6 =	simm.s32 @!p1 $0x1082;
	[sflag:s4] =	ssyncset.s32 $0xFFFFF086  }
0x25: {  	[simem:s6], [sflag:s4] =	dma.local [hbm:s3], $0xF7A  }
0x26: {  	[smem:$0x3F9F] =	sst s1;
	(tag) =	ssettag s2;
	_ =	strace s9  }
0x27: {  	s1 =	sld [smem:$0x3FAF]  }
0x28: {  	s2 =	sld [smem:$0x3FB0]  }
0x29: {  	s4 =	sld [smem:$0x3FB2]  }
0x2a: {  	p0 =	seq.s32 s5, $0x0;
	s5 =	sld [smem:$0x3FB3]  }
0x2b: {  	s6 =	sld [smem:$0x3FB4]  }
0x2c: {  	s7 =	sld [smem:$0x3FB5]  }
0x2d: {  	s3 =	simm.s32 $0x108;
	s8 =	sld [smem:$0x3FB6]  }
0x2e: {  	s3 =	simm.s32 @!p0 $0x1082;
	s9 =	sld [smem:$0x3FB7]  }
0x2f: {  	lr =	sadd.s32 s0, s3;
	s0 =	sld [smem:$0x3FAE]  }
0x30: {  	s3 =	sld [smem:$0x3FB1]  }
0x31: {  	[smem:$0x3FBA] =	sst s10  }
0x32: {  	s10 =	sld [smem:$0x3FB8];
	_ =	sdelay $0x3  }
0x33: {  	p0 =	seq.s32 s10, $0x1;
	s10 =	sld [smem:$0x3FBA];
	_ =	sdelay $0x3  }
0x34: {  	[smem:$0x3FBA] =	sst s10  }
0x35: {  	s10 =	sld [smem:$0x3FB9];
	_ =	sdelay $0x3  }
0x36: {  	p1 =	seq.s32 s10, $0x1;
	s10 =	sld [smem:$0x3FBA];
	_ =	sdelay $0x3  }
0x37: {  	[smem:$0x3FBA] =	sst s10  }
0x38: {  	s10 =	sld [smem:$0x3FBB]  }
0x39: {  	_ = 	snop;
	(pc) =	sbr.ind lr, $3  }
0x3a: {  	_ = 	snop  }
0x3b: {  	_ = 	snop  }
0x3c: {  	p2 =	seq.s32 s10, $0x1;
	s10 =	sld [smem:$0x3FBA]  }
0x3d: {  	_ =	shalt  }
0x3e: {  	_ =	shalt  }
0x3f: {  	_ =	shalt  }
0x40: {  	_ =	shalt  }
0x41: {  	_ =	shalt  }
0x42: {  	_ =	shalt  }
0x43: {  	_ =	shalt  }
0x44: {  	_ =	shalt  }
0x45: {  	_ =	shalt  }
0x46: {  	_ =	shalt  }
0x47: {  	_ =	shalt  }
0x48: {  	_ =	shalt  }
0x49: {  	_ =	shalt  }
0x4a: {  	_ =	shalt  }
0x4b: {  	_ =	shalt  }
0x4c: {  	_ =	shalt  }
0x4d: {  	_ =	shalt  }
0x4e: {  	_ =	shalt  }
0x4f: {  	_ =	shalt  }
0x50: {  	_ =	shalt  }
0x51: {  	_ =	shalt  }
0x52: {  	_ =	shalt  }
0x53: {  	_ =	shalt  }
0x54: {  	_ =	shalt  }
0x55: {  	_ =	shalt  }
0x56: {  	_ =	shalt  }
0x57: {  	_ =	shalt  }
0x58: {  	_ =	shalt  }
0x59: {  	_ =	shalt  }
0x5a: {  	_ =	shalt  }
0x5b: {  	_ =	shalt  }
0x5c: {  	_ =	shalt  }
0x5d: {  	_ =	shalt  }
0x5e: {  	_ =	shalt  }
0x5f: {  	_ =	shalt  }
0x60: {  	_ =	shalt  }
0x61: {  	_ =	shalt  }
0x62: {  	_ =	shalt  }
0x63: {  	_ =	shalt  }
0x64: {  	_ =	shalt  }
0x65: {  	_ =	shalt  }
0x66: {  	_ =	shalt  }
0x67: {  	_ =	shalt  }
0x68: {  	_ =	shalt  }
0x69: {  	_ =	shalt  }
0x6a: {  	_ =	shalt  }
0x6b: {  	_ =	shalt  }
0x6c: {  	_ =	shalt  }
0x6d: {  	_ =	shalt  }
0x6e: {  	_ =	shalt  }
0x6f: {  	_ =	shalt  }
0x70: {  	_ =	shalt  }
0x71: {  	_ =	shalt  }
0x72: {  	_ =	shalt  }
0x73: {  	_ =	shalt  }
0x74: {  	_ =	shalt  }
0x75: {  	_ =	shalt  }
0x76: {  	_ =	shalt  }
0x77: {  	_ =	shalt  }
0x78: {  	_ =	shalt  }
0x79: {  	_ =	shalt  }
0x7a: {  	_ =	shalt  }
0x7b: {  	_ =	shalt  }
0x7c: {  	_ =	shalt  }
0x7d: {  	_ =	shalt  }
0x7e: {  	_ =	shalt  }
0x7f: {  	_ =	shalt  }
0x80: {  	_ =	shalt  }
0x81: {  	_ =	shalt  }
0x82: {  	_ =	shalt  }
0x83: {  	_ =	shalt  }
0x84: {  	_ =	shalt  }
0x85: {  	_ =	shalt  }
0x86: {  	_ =	shalt  }
0x87: {  	_ =	shalt  }
.Lfunc_end0:
.L_simem_size_0:
called_computation_lowered:
.L_overlay_start_0:
0x88: {  	s2 =	sld [smem:$0x3FD9]  }
0x89: {  	s3 =	sld [smem:$0x3FFE];
	_ =	sdelay $0x1  }
0x8a: {  	s1 =	srdreg.scid  }
0x8b: {  	s0 =	sand.u32 $0x1, s1  }
0x8c: {  	s17 =	sshll.u32 s0, $0xA;
	s2 =	sadd.s32 s3, s2  }
0x8d: {  	s2 =	sadd.s32 s2, s17  }
0x8e: {  	[smem:$0x3FC6] =	sst s2  }
0x8f: {  	_ = 	snop  }
0x90: {  	s2 =	sld [smem:$0x3FC9];
	(tm) =	ssettm $0x1  }
0x91: {  	s18 =	sld [smem:$0x3FFB];
	_ =	sdelay $0x3  }
0x92: {  	_ =	strace s18  }
0x93: {  	s3 =	sld [smem:$0x3FFC];
	_ =	sdelay $0x3  }
0x94: {  	_ =	strace s3  }
0x95: {  	s3 =	sld [smem:$0x3FFD];
	_ =	sdelay $0x3  }
0x96: {  	_ =	strace s3  }
0x97: {  	_ =	strace $0x8FFFFFFF  }
0x98: {  	s19 =	sld [smem:$0x3FDB];
	_ =	sdelay $0x1  }
0x99: {  	s4 =	simm.s32 $_scs_section_size  }
0x9a: {  	s5 =	simm.s32 $_size__tile_overlayer_lowered;
	s6 =	simm.s32 $_tile_overlayer_lowered  }
0x9b: {  	s22 =	simm.s32 $0x1BFF;
	s21 =	sshll.u32 s6, $0x1;
	s3 =	sadd.s32 s4, s19  }
0x9c: {  	s7 =	simm.s32 $0x0;
	s20 =	sshll.u32 s5, $0x1;
	s5 =	sadd.s32 s21, s3  }
0x9d: {  	[timem:s7], [sflag:s22] =	dma.local [hbm:s5], s20  }
0x9e: {  	_ =	swait.ge [sflag:s22], s20  }
0x9f: {  	s4 =	ssub.s32 $0x0, s20;
	[sflag:s22] =	ssyncset.done $0x0  }
0xa0: {  	[sflag:s22] =	ssyncadd.s32 s4;
	_ =	sdelay $0x1  }
0xa1: {  	s23 =	simm.s32 $0x1B8B  }
0xa2: {  	_ =	swait.ge [sflag:s23], $0x1  }
0xa3: {  	[sflag:s23] =	ssyncset.done $0x0  }
0xa4: {  	s25 =	simm.s32 $0x1B8E;
	s24 =	sld [smem:$0x3FFE];
	[sflag:s23] =	ssyncadd.s32 $0xFFFFFFFF  }
0xa5: {  	s26 =	simm.s32 $execute0_lowered;
	[smem:$0x3FD2] =	sst s25  }
0xa6: {  	s5 =	sshll.u32 s26, $0x1;
	_ =	strace $0x80000046;
	[dreg:$0x1] =	wrdreg $0xFFFFFFFF  }
0xa7: {  	s28 =	simm.s32 $_size_execute0_lowered;
	s3 =	sadd.s32 s3, s5;
	[dreg:$0x0] =	wrdreg $0x0  }
0xa8: {  	s5 =	sshll.u32 s28, $0x1;
	[dreg:$0x2] =	wrdreg s3  }
0xa9: {  	[dreg:$0x3] =	wrdreg s5  }
0xaa: {  	[dreg:$0x4] =	wrdreg $0xC0  }
0xab: {  	_ =	task [dreg:s7], $0x5FFFF  }
0xac: {  	[dreg:$0x1] =	wrdreg $0xFFFFFFFF  }
0xad: {  	[dreg:$0x0] =	wrdreg $0x60  }
0xae: {  	[dreg:$0x2] =	wrdreg s2  }
0xaf: {  	[dreg:$0x3] =	wrdreg s24  }
0xb0: {  	[dreg:$0x4] =	wrdreg $0x9  }
0xb1: {  	_ =	task.clear_ibuf [dreg:s7], $0x5FFFF;
	_ =	strace $0x90000046  }
0xb2: {  	s29 =	simm.s32 $0x9;
	_ =	strace $0x80000048  }
0xb3: {  	_ =	swait.ge [sflag:s29], $0x1  }
0xb4: {  	[sflag:s29] =	ssyncadd.s32 $0xFFFFFFFF  }
0xb5: {  	_ =	strace $0x90000048  }
0xb6: {  	_ =	sfence  }
0xb7: {  	s30 =	sld [smem:$0x0];
	_ =	sdelay $0x2  }
0xb8: {  	s31 =	sshll.u32 s1, $0xD;
	s1 =	sshrl.u32 s1, $0x2  }
0xb9: {  	s3 =	sand.u32 $0x4000, s31;
	s1 =	sadd.s32 s1, s30  }
0xba: {  	s0 =	sor.u32 s3, s0;
	s1 =	sshll.u32 s1, $0x11  }
0xbb: {  	s0 =	sor.u32 s1, s0  }
0xbc: {  	s0 =	sadd.s32 $0x8F2B, s0  }
0xbd: {  	[sflag:s0] =	ssyncadd.remote.s32 $0x1  }
0xbe: {  	_ =	sfence.sel $0xFFFF  }
0xbf: {  	[dreg:$0x0] =	wrdreg $0xFFFFFFFF;
	(pc) =	sbr.abs _section_cstart, $3  }
0xc0: {  	[dreg:$0x1] =	wrdreg $0xFFFFFFFF  }
0xc1: {  	_ =	task.clear_ibuf [dreg:s7], $0x2FFFF;
	_ =	strace $0x9FFFFFFF  }
0xc2: {  	(tm) =	ssettm $0x7FFFFFFF  }
0xc3: {  	_ =	shalt  }
tec
execute0_lowered:
.L_overlay_start_1:
0x0: {  	(tag) =	ssettag $0x1  }
0x1: {  	s6 =	rddreg [dreg:$0x0]  }
0x2: {  	s1 =	srdreg.scid;
	s0 =	stileid.u32  }
0x3: {  	s5 =	rddreg [dreg:$0x1];
	s2 =	simm.s32 $0x0;
	s10 =	simm.s32 $0xC8  }
0x4: {  	s11 =	simm.s32 $0x6400;
	s12 =	simm.s32 $0xC800;
	s13 =	simm.s32 $0x1  }
0x5: {  	s14 =	simm.s32 $0x12C00;
	s15 =	simm.s32 $0x2;
	s16 =	simm.s32 $0x4  }
0x6: {  	s17 =	simm.s32 $0x19000;
	s18 =	simm.s32 $0x3;
	s19 =	simm.s32 $0x0  }
0x7: {  	s7 =	sand.u32 $0x1, s1;
	s3 =	sshll.u32 s0, $0x1;
	s1 =	rddreg [dreg:$0x2]  }
.Ltmp0:
0x8: {  	[smem:$0x7FF] =	sst s2;
	s3 =	sor.u32 s7, s3;
	(pc) =	sbr.rel .LBB2_1-.Ltmp0, $4  }
0x9: {  	s4 =	sadd.s32 $0xF42800, s5;
	s7 =	ssub.s32 $0x2, s7;
	s3 =	smul.u32 $0x6400, s3  }
0xa: {  	s5 =	sadd.s32 $0x400, s5;
	_ =	strace $0x80000047;
	s8 =	sshrl.u32 s7, $0x1  }
0xb: {  	s8 =	ssub.s32 s7, s8;
	s9 =	sshrl.u32 s3, $0x3;
	s7 =	sor.u32 $0xC8, s3  }
0xc: {  	s8 =	smax.u32 s8, $0x1;
	s6 =	sadd.s32 s6, s9;
	s9 =	simm.s32 $0x5  }
.LBB2_12:
0xd: {  	s19 =	sadd.s32 $0x1, s19  }
0xe: {  	_ =	swait.ge [sflag:s18], $0x6400;
	p0 =	sne.s32 s19, s8  }
.Ltmp1:
0xf: {  	[sflag:s18] =	ssyncset.done $0x0;
	(pc) =	sbr.rel @!p0 .LBB2_13-.Ltmp1, $4  }
0x10: {  	[sflag:s18] =	ssyncadd.s32 $0xFFFF9C00  }
0x11: {  	_ =	swait.ge [sflag:s16], $0x6400  }
0x12: {  	[sflag:s16] =	ssyncset.done $0x0  }
0x13: {  	[sflag:s16] =	ssyncadd.s32 $0xFFFF9C00  }
.LBB2_1:
0x14: {  	[tilespmem:s2], [sflag:$0x5] =	stream.linear.gather [hbm4b:s6+s2], $0x6400, $0x38;
	[tilespmem:$0x1F400] =	vst v63  }
0x15: {  	_ =	swait.ge [sflag:s9], $0x6400  }
0x16: {  	[sflag:s9] =	ssyncset.done $0x0  }
0x17: {  	[sflag:s9] =	ssyncadd.s32 $0xFFFF9C00  }
0x18: {  	[tilespmem:s11], [sflag:$0x1] =	stream.indirect.gather [hbm4b:s4+s10], $0x80, s2, s10, $0xb8;
	[tilespmem:$0x1F400] =	vst v63  }
0x19: {  	s20 =	simm.s32 $0x0  }
0x1a: {  	[tilespmem:s12], [sflag:$0x2] =	stream.indirect.gather [hbm4b:s4+s10], $0x80, s10, s10, $0xb8;
	[tilespmem:$0x1F400] =	vst v63  }
.LBB2_2:
0x1b: {  	_ =	swait.ge [sflag:s13], $0x6400  }
0x1c: {  	p0 =	seq.s32 s20, $0x0;
	[sflag:s13] =	ssyncset.done $0x0  }
0x1d: {  	s21 =	simm.s32 @!p0 $0x3;
	[sflag:s13] =	ssyncadd.s32 $0xFFFF9C00  }
0x1e: {  	_ =	swait.ge @!p0 [sflag:s21], $0x6400  }
0x1f: {  	[sflag:s21] =	ssyncset.done @!p0 $0x0  }
0x20: {  	s22 =	simm.s32 $0x0;
	[sflag:s21] =	ssyncadd.s32 @!p0 $0xFFFF9C00  }
0x21: {  	v1 =	vld [tilespmem:s22+$0x6430]  }
0x22: {  	v2 =	vld [tilespmem:s22+$0x6400]  }
0x23: {  	v0 =	vld [tilespmem:s22+$0x6410]  }
0x24: {  	s21 =	simm.s32 $0x200;
	v3 =	vld [tilespmem:s22+$0x6420]  }
.LBB2_3:
0x25: {  	p1 =	sne.s32 s21, $0x18E00  }
.Ltmp2:
0x26: {  	s23 =	sshra.s32 s21, $0x2;
	s21 =	sadd.s32 $0x200, s21;
	[tilespmem:s22+$0x12C30] =	vst v1;
	(pc) =	sbr.rel @p1 .LBB2_3-.Ltmp2, $4  }
0x27: {  	v1 =	vld [tilespmem:s23+$0x6430];
	[tilespmem:s22+$0x12C00] =	vst v2  }
0x28: {  	v2 =	vld [tilespmem:s23+$0x6400];
	[tilespmem:s22+$0x12C10] =	vst v0  }
0x29: {  	v0 =	vld [tilespmem:s23+$0x6410];
	[tilespmem:s22+$0x12C20] =	vst v3;
	s22 =	smov.u32 s23  }
0x2a: {  	v3 =	vld [tilespmem:s22+$0x6420]  }
0x2b: {  	s21 =	smul.u32 $0x190, s20;
	p1 =	sne.s32 s20, $0x3F  }
.Ltmp3:
0x2c: {  	[tilespmem:s22+$0x12C30] =	vst v1;
	(pc) =	sbr.rel @p1 .LBB2_6-.Ltmp3, $4  }
0x2d: {  	[tilespmem:s22+$0x12C00] =	vst v2;
	s23 =	sadd.s32 s3, s21  }
0x2e: {  	[tilespmem:s22+$0x12C10] =	vst v0;
	s23 =	sshll.u32 s23, $0x4  }
0x2f: {  	[tilespmem:s22+$0x12C20] =	vst v3;
	s31 =	sadd.s32 s5, s23  }
0x30: {  	[hbm4b:s31+s2] =	stream.linear.scatter [tilespmem:s14], [sflag:$0x3], $0x6400, $0x38;
	[tilespmem:$0x1F400] =	vst v63  }
.Ltmp4:
0x31: {  	(pc) =	sbr.rel .LBB2_7-.Ltmp4, $4  }
0x32: {  	_ = 	snop  }
0x33: {  	_ =	swait.ge [sflag:s15], $0x6400  }
0x34: {  	[sflag:s15] =	ssyncset.done $0x0  }
0x35: {  	[sflag:s15] =	ssyncadd.s32 $0xFFFF9C00  }
.LBB2_6:
0x36: {  	s22 =	smul.u32 $0x640, s20;
	_ =	sdelay $0x1  }
0x37: {  	s22 =	sshra.s32 s22, $0x2  }
.Ltmp5:
0x38: {  	s22 =	sadd.s32 $0x190, s22;
	(pc) =	sbr.rel @p0 .LBB2_8-.Ltmp5, $4  }
0x39: {  	[tilespmem:s11], [sflag:$0x1] =	stream.indirect.gather [hbm4b:s4+s10], $0x80, s22, s10, $0xb8;
	[tilespmem:$0x1F400] =	vst v63  }
0x3a: {  	_ =	swait.ge [sflag:s15], $0x6400  }
0x3b: {  	[sflag:s15] =	ssyncset.done $0x0  }
0x3c: {  	[sflag:s15] =	ssyncadd.s32 $0xFFFF9C00  }
.LBB2_7:
0x3d: {  	_ =	swait.ge [sflag:s16], $0x6400  }
0x3e: {  	[sflag:s16] =	ssyncset.done $0x0  }
0x3f: {  	[sflag:s16] =	ssyncadd.s32 $0xFFFF9C00  }
.LBB2_8:
0x40: {  	s22 =	simm.s32 $0x0  }
0x41: {  	v1 =	vld [tilespmem:s22+$0xC830]  }
0x42: {  	v2 =	vld [tilespmem:s22+$0xC800]  }
0x43: {  	v0 =	vld [tilespmem:s22+$0xC810]  }
0x44: {  	s23 =	simm.s32 $0x200;
	v3 =	vld [tilespmem:s22+$0xC820]  }
.LBB2_9:
0x45: {  	p0 =	sne.s32 s23, $0x18E00  }
.Ltmp6:
0x46: {  	s24 =	sshra.s32 s23, $0x2;
	s23 =	sadd.s32 $0x200, s23;
	[tilespmem:s22+$0x19030] =	vst v1;
	(pc) =	sbr.rel @p0 .LBB2_9-.Ltmp6, $4  }
0x47: {  	v1 =	vld [tilespmem:s24+$0xC830];
	[tilespmem:s22+$0x19000] =	vst v2  }
0x48: {  	v2 =	vld [tilespmem:s24+$0xC800];
	[tilespmem:s22+$0x19010] =	vst v0  }
0x49: {  	v0 =	vld [tilespmem:s24+$0xC810];
	[tilespmem:s22+$0x19020] =	vst v3;
	s22 =	smov.u32 s24  }
0x4a: {  	v3 =	vld [tilespmem:s22+$0xC820]  }
0x4b: {  	p0 =	seq.s32 s20, $0x3F  }
.Ltmp7:
0x4c: {  	[tilespmem:s22+$0x19030] =	vst v1;
	(pc) =	sbr.rel @p0 .LBB2_12-.Ltmp7, $4  }
0x4d: {  	s21 =	sadd.s32 s21, s7;
	[tilespmem:s22+$0x19000] =	vst v2  }
0x4e: {  	s21 =	sshll.u32 s21, $0x4;
	[tilespmem:s22+$0x19010] =	vst v0  }
0x4f: {  	s21 =	sadd.s32 s5, s21;
	[tilespmem:s22+$0x19020] =	vst v3  }
0x50: {  	[hbm4b:s21+s2] =	stream.linear.scatter [tilespmem:s17], [sflag:$0x4], $0x6400, $0x38;
	[tilespmem:$0x1F400] =	vst v63  }
0x51: {  	s21 =	smul.u32 $0x640, s20  }
.Ltmp8:
0x52: {  	_ = 	snop;
	(pc) =	sbr.rel .LBB2_2-.Ltmp8, $4  }
0x53: {  	_ = 	snop  }
0x54: {  	s21 =	sshra.s32 s21, $0x2  }
0x55: {  	s20 =	sadd.s32 $0x1, s20;
	s21 =	sadd.s32 $0x258, s21  }
0x56: {  	[tilespmem:s12], [sflag:$0x2] =	stream.indirect.gather [hbm4b:s4+s10], $0x80, s21, s10, $0xb8;
	[tilespmem:$0x1F400] =	vst v63  }
.LBB2_13:
0x57: {  	_ =	sfence.sel $0x180000  }
0x58: {  	[bflag:$0x0] =	sbarrier.arrive $0xFFFF  }
0x59: {  	p0 =	sne.s32 s0, $0x0;
	_ =	strace $0x90000047  }
0x5a: {  	s0 =	sadd.s32 @!p0 $0x100000, s1;
	[bflag:$0x2] =	sbarrier.arrive $0xFFFF  }
0x5b: {  	[sflag:s0] =	ssyncadd.tile.s32 @!p0 $0x1;
	_ =	shalt  }
.Lfunc_end2:
_tile_overlayer_lowered:
.L_overlay_start_2:
0x5c: {  	(tag) =	ssettag $0x2  }
0x5d: {  	s0 =	rddreg [dreg:$0x0];
	s2 =	stileid.u32  }
0x5e: {  	s1 =	rddreg [dreg:$0x1];
	p0 =	sne.s32 s2, $0x0  }
0x5f: {  	s3 =	rddreg [dreg:$0x2];
	[bflag:$0x3] =	sbarrier.arrive $0xFFFF;
	s2 =	simm.s32 @!p0 $0x1C05  }
0x60: {  	[timem:s3], [sflag:s2] =	dma.local @!p0 [hbm:s0], s1  }
0x61: {  	s0 =	simm.s32 @!p0 $0x5  }
0x62: {  	_ =	swait.ge @!p0 [sflag:s0], s1  }
0x63: {  	s1 =	ssub.s32 @!p0 $0x0, s1;
	[sflag:s0] =	ssyncset.done @!p0 $0x0  }
0x64: {  	[sflag:s0] =	ssyncadd.s32 @!p0 s1  }
0x65: {  	[bflag:$0x3] =	sbarrier.arrive $0xFFFF  }
0x66: {  	_ =	shalt  }

</sc_bundles>
